<compile_context>
chip_gen: v7x
topology: tpu7x:2x2x1
jax: 0.10.2.dev20260603
libtpu: 0.0.44.dev20260713+nightly
codegen_flags: <defaults>
</compile_context>

<pallas_src>
import functools

import jax
import jax.numpy as jnp
from jax import lax
from jax.experimental import pallas as pl
from jax.experimental.pallas import tpu as pltpu
from jax.experimental.pallas import tpu_sc as plsc


def _make_gather(B, V, D, n_workers, chunk, nbuf, fd):
    per_w = B // n_workers
    n_chunks = per_w // chunk
    mesh = plsc.VectorSubcoreMesh(core_axis_name="c", subcore_axis_name="s")
    nc = mesh.num_cores

    @functools.partial(
        pl.kernel,
        mesh=mesh,
        out_type=jax.ShapeDtypeStruct((n_workers * n_chunks, chunk, D), jnp.float32),
        scratch_types=[
            pltpu.VMEM((n_chunks, chunk), jnp.int32),
            pltpu.VMEM((nbuf, chunk, D), jnp.float32),
            pltpu.SemaphoreType.DMA((nbuf,)),
            pltpu.SemaphoreType.DMA((nbuf,)),
        ],
    )
    def gather_kernel(idx_hbm, table_hbm, out_hbm, idx_v, buf, gsem, wsem):
        wid = lax.axis_index("s") * nc + lax.axis_index("c")
        row0 = wid * n_chunks
        pltpu.sync_copy(idx_hbm.at[wid], idx_v)

        def fire(j):
            b = lax.rem(j, nbuf)
            pltpu.async_copy(table_hbm.at[idx_v.at[j]], buf.at[b], gsem.at[b])

        for t in range(fd):
            fire(t)

        @pl.loop(0, n_chunks)
        def _(j):
            b = lax.rem(j, nbuf)
            pltpu.make_async_copy(table_hbm.at[idx_v.at[j]], buf.at[b], gsem.at[b]).wait()
            pltpu.async_copy(buf.at[b], out_hbm.at[row0 + j], wsem.at[b])

            @pl.when(j + fd < n_chunks)
            def _():
                bn = lax.rem(j + fd, nbuf)

                @pl.when(j >= nbuf - fd)
                def _():
                    pltpu.make_async_copy(
                        buf.at[bn], out_hbm.at[row0 + j + fd - nbuf], wsem.at[bn]
                    ).wait()

                fire(j + fd)

        for t in range(nbuf):
            j = n_chunks - nbuf + t
            b = j % nbuf
            pltpu.make_async_copy(buf.at[b], out_hbm.at[row0 + j], wsem.at[b]).wait()

    return gather_kernel


def kernel(x, weight):
    Bx, S = x.shape
    V, D = weight.shape
    B = Bx * S
    chunk = 128
    n_workers = 32
    nbuf = 7
    fd = 4
    n_chunks = B // (n_workers * chunk)
    idx = x.reshape(n_workers, n_chunks, chunk).astype(jnp.int32)
    out = _make_gather(B, V, D, n_workers, chunk, nbuf, fd)(idx, weight)
    return out.reshape(Bx, S, D)

# --- scband reference (transcript-rebuilt; emitter-appended) ---
"""Pipeline reference for scband-embedding-32968168964718 (READ-ONLY COPY).

The authoritative reference and input builder live on the scoring server;
editing this copy changes nothing except your own understanding.
"""

import jax, jax.numpy as jnp
import numpy as np

VOCAB_SIZE = 100000
NUM_EMBD = 128


def setup_inputs(seed: int = 0) -> dict:
    key = jax.random.key(seed)
    k_idx, k_w = jax.random.split(key)
    x = jax.random.randint(k_idx, (1024, 200), 0, VOCAB_SIZE, dtype=jnp.int64)
    weight = jax.random.normal(k_w, (VOCAB_SIZE, NUM_EMBD), dtype=jnp.float32)
    return {"x": x, "weight": weight}


def reference(x, weight):
    # F.embedding(x, weight) == gather rows of weight by x
    y = jnp.take(weight, x, axis=0)
    return y

if __name__ == "__main__":
    import jax
    _d = setup_inputs()
    print(jax.jit(kernel)(*tuple(_d.values())))

</pallas_src>

<mosaic_0001>
#map = affine_map<(d0, d1) -> (0, 0, 0)>
#map1 = affine_map<(d0, d1) -> (0, 0)>
module attributes {stable_mosaic.version = 14 : i64} {
  func.func @gather_kernel(%arg0: i32, %arg1: i32, %arg2: memref<32x50x128xi32, #tpu.memory_space<hbm>>, %arg3: memref<100000x128xf32, #tpu.memory_space<hbm>>, %arg4: memref<1600x128x128xf32, #tpu.memory_space<hbm>>, %arg5: memref<50x128xi32, #tpu.memory_space<vmem>>, %arg6: memref<7x128x128xf32, #tpu.memory_space<vmem>>, %arg7: memref<7x!tpu.dma_semaphore, #tpu.memory_space<semaphore_mem>>, %arg8: memref<7x!tpu.dma_semaphore, #tpu.memory_space<semaphore_mem>>) attributes {dimension_semantics = [#tpu.dimension_semantics<core_parallel>, #tpu.dimension_semantics<subcore_parallel>], iteration_bounds = array<i64: 2, 16>, scalar_prefetch = 0 : i64, scratch_operands = 4 : i64, tpu.core_type = #tpu.core_type<sc_vector_subcore>, window_params = [{transform_indices = #map}, {transform_indices = #map1}, {transform_indices = #map}]} {
    %mul3A = arith.constant 2 : i32
    %mul3A_0 = arith.muli %arg1, %mul3A : i32
    %add3A = arith.addi %mul3A_0, %arg0 : i32
    %mul3A_1 = arith.constant 50 : i32
    %mul3A_2 = arith.muli %add3A, %mul3A_1 : i32
    "tpu.region"() ({
      %run_scoped3A = tpu.sem_alloc : memref<!tpu.dma_semaphore, #tpu.memory_space<semaphore_mem>>
      %dma_start3A_222 = arith.constant 0 : i32
      %dma_start3A_223 = arith.constant 0 : i32
      %dma_start3A_224 = tpu.memref_slice %arg2[%add3A, %dma_start3A_222, %dma_start3A_223] : memref<32x50x128xi32, #tpu.memory_space<hbm>> -> memref<1x50x128xi32, #tpu.memory_space<hbm>>
      %dma_start3A_225 = tpu.memref_squeeze %dma_start3A_224 : memref<1x50x128xi32, #tpu.memory_space<hbm>> -> memref<50x128xi32, #tpu.memory_space<hbm>>
      %dma_start3A_226 = arith.constant 0 : i32
      %dma_start3A_227 = arith.constant 0 : i32
      %dma_start3A_228 = tpu.memref_slice %arg2[%add3A, %dma_start3A_226, %dma_start3A_227] : memref<32x50x128xi32, #tpu.memory_space<hbm>> -> memref<1x50x128xi32, #tpu.memory_space<hbm>>
      %dma_start3A_229 = tpu.memref_squeeze %dma_start3A_228 : memref<1x50x128xi32, #tpu.memory_space<hbm>> -> memref<50x128xi32, #tpu.memory_space<hbm>>
      tpu.enqueue_dma source(%dma_start3A_229 : memref<50x128xi32, #tpu.memory_space<hbm>>) target(%arg5 : memref<50x128xi32, #tpu.memory_space<vmem>>) target_semaphore(%run_scoped3A : memref<!tpu.dma_semaphore, #tpu.memory_space<semaphore_mem>>)
      %dma_wait3A_230 = arith.constant 0 : i32
      %dma_wait3A_231 = arith.constant 0 : i32
      %dma_wait3A_232 = tpu.memref_slice %arg2[%add3A, %dma_wait3A_230, %dma_wait3A_231] : memref<32x50x128xi32, #tpu.memory_space<hbm>> -> memref<1x50x128xi32, #tpu.memory_space<hbm>>
      %dma_wait3A_233 = tpu.memref_squeeze %dma_wait3A_232 : memref<1x50x128xi32, #tpu.memory_space<hbm>> -> memref<50x128xi32, #tpu.memory_space<hbm>>
      %dma_wait3A_234 = arith.constant 0 : i32
      %dma_wait3A_235 = arith.constant 0 : i32
      %dma_wait3A_236 = tpu.memref_slice %arg2[%add3A, %dma_wait3A_234, %dma_wait3A_235] : memref<32x50x128xi32, #tpu.memory_space<hbm>> -> memref<1x50x128xi32, #tpu.memory_space<hbm>>
      %dma_wait3A_237 = tpu.memref_squeeze %dma_wait3A_236 : memref<1x50x128xi32, #tpu.memory_space<hbm>> -> memref<50x128xi32, #tpu.memory_space<hbm>>
      tpu.wait_dma2 semaphore(%run_scoped3A : memref<!tpu.dma_semaphore, #tpu.memory_space<semaphore_mem>>) src(%dma_wait3A_237 : memref<50x128xi32, #tpu.memory_space<hbm>>) dst(%arg5 : memref<50x128xi32, #tpu.memory_space<vmem>>)
      tpu.yield
    }) : () -> ()
    %rem3A = arith.constant 0 : i32
    %rem3A_3 = arith.constant 7 : i32
    %rem3A_4 = arith.remsi %rem3A, %rem3A_3 : i32
    %dma_start3A = arith.constant 0 : i32
    %dma_start3A_5 = arith.constant 0 : i32
    %dma_start3A_6 = arith.constant 0 : i32
    %dma_start3A_7 = tpu.memref_slice %arg6[%rem3A_4, %dma_start3A_5, %dma_start3A_6] : memref<7x128x128xf32, #tpu.memory_space<vmem>> -> memref<1x128x128xf32, #tpu.memory_space<vmem>>
    %dma_start3A_8 = tpu.memref_squeeze %dma_start3A_7 : memref<1x128x128xf32, #tpu.memory_space<vmem>> -> memref<128x128xf32, #tpu.memory_space<vmem>>
    %dma_start3A_9 = arith.constant 0 : i32
    %dma_start3A_10 = tpu.memref_slice %arg5[%dma_start3A, %dma_start3A_9] : memref<50x128xi32, #tpu.memory_space<vmem>> -> memref<1x128xi32, #tpu.memory_space<vmem>>
    %dma_start3A_11 = tpu.memref_squeeze %dma_start3A_10 : memref<1x128xi32, #tpu.memory_space<vmem>> -> memref<128xi32, #tpu.memory_space<vmem>>
    %dma_start3A_12 = arith.constant 0 : i32
    %dma_start3A_13 = arith.constant 0 : i32
    %dma_start3A_14 = tpu.memref_slice %arg3[%dma_start3A_12, %dma_start3A_13] : memref<100000x128xf32, #tpu.memory_space<hbm>> -> memref<100000x128xf32, #tpu.memory_space<hbm>>
    %dma_start3A_15 = tpu.memref_slice %arg7[%rem3A_4] : memref<7x!tpu.dma_semaphore, #tpu.memory_space<semaphore_mem>> -> memref<1x!tpu.dma_semaphore, #tpu.memory_space<semaphore_mem>>
    %dma_start3A_16 = tpu.memref_squeeze %dma_start3A_15 : memref<1x!tpu.dma_semaphore, #tpu.memory_space<semaphore_mem>> -> memref<!tpu.dma_semaphore, #tpu.memory_space<semaphore_mem>>
    tpu.enqueue_indirect_dma source(%dma_start3A_14 : memref<100000x128xf32, #tpu.memory_space<hbm>>) target(%dma_start3A_8 : memref<128x128xf32, #tpu.memory_space<vmem>>) offsets(%dma_start3A_11 : memref<128xi32, #tpu.memory_space<vmem>>) semaphore(%dma_start3A_16 : memref<!tpu.dma_semaphore, #tpu.memory_space<semaphore_mem>>)
    %rem3A_17 = arith.constant 1 : i32
    %rem3A_18 = arith.constant 7 : i32
    %rem3A_19 = arith.remsi %rem3A_17, %rem3A_18 : i32
    %dma_start3A_20 = arith.constant 1 : i32
    %dma_start3A_21 = arith.constant 0 : i32
    %dma_start3A_22 = arith.constant 0 : i32
    %dma_start3A_23 = tpu.memref_slice %arg6[%rem3A_19, %dma_start3A_21, %dma_start3A_22] : memref<7x128x128xf32, #tpu.memory_space<vmem>> -> memref<1x128x128xf32, #tpu.memory_space<vmem>>
    %dma_start3A_24 = tpu.memref_squeeze %dma_start3A_23 : memref<1x128x128xf32, #tpu.memory_space<vmem>> -> memref<128x128xf32, #tpu.memory_space<vmem>>
    %dma_start3A_25 = arith.constant 0 : i32
    %dma_start3A_26 = tpu.memref_slice %arg5[%dma_start3A_20, %dma_start3A_25] : memref<50x128xi32, #tpu.memory_space<vmem>> -> memref<1x128xi32, #tpu.memory_space<vmem>>
    %dma_start3A_27 = tpu.memref_squeeze %dma_start3A_26 : memref<1x128xi32, #tpu.memory_space<vmem>> -> memref<128xi32, #tpu.memory_space<vmem>>
    %dma_start3A_28 = arith.constant 0 : i32
    %dma_start3A_29 = arith.constant 0 : i32
    %dma_start3A_30 = tpu.memref_slice %arg3[%dma_start3A_28, %dma_start3A_29] : memref<100000x128xf32, #tpu.memory_space<hbm>> -> memref<100000x128xf32, #tpu.memory_space<hbm>>
    %dma_start3A_31 = tpu.memref_slice %arg7[%rem3A_19] : memref<7x!tpu.dma_semaphore, #tpu.memory_space<semaphore_mem>> -> memref<1x!tpu.dma_semaphore, #tpu.memory_space<semaphore_mem>>
    %dma_start3A_32 = tpu.memref_squeeze %dma_start3A_31 : memref<1x!tpu.dma_semaphore, #tpu.memory_space<semaphore_mem>> -> memref<!tpu.dma_semaphore, #tpu.memory_space<semaphore_mem>>
    tpu.enqueue_indirect_dma source(%dma_start3A_30 : memref<100000x128xf32, #tpu.memory_space<hbm>>) target(%dma_start3A_24 : memref<128x128xf32, #tpu.memory_space<vmem>>) offsets(%dma_start3A_27 : memref<128xi32, #tpu.memory_space<vmem>>) semaphore(%dma_start3A_32 : memref<!tpu.dma_semaphore, #tpu.memory_space<semaphore_mem>>)
    %rem3A_33 = arith.constant 2 : i32
    %rem3A_34 = arith.constant 7 : i32
    %rem3A_35 = arith.remsi %rem3A_33, %rem3A_34 : i32
    %dma_start3A_36 = arith.constant 2 : i32
    %dma_start3A_37 = arith.constant 0 : i32
    %dma_start3A_38 = arith.constant 0 : i32
    %dma_start3A_39 = tpu.memref_slice %arg6[%rem3A_35, %dma_start3A_37, %dma_start3A_38] : memref<7x128x128xf32, #tpu.memory_space<vmem>> -> memref<1x128x128xf32, #tpu.memory_space<vmem>>
    %dma_start3A_40 = tpu.memref_squeeze %dma_start3A_39 : memref<1x128x128xf32, #tpu.memory_space<vmem>> -> memref<128x128xf32, #tpu.memory_space<vmem>>
    %dma_start3A_41 = arith.constant 0 : i32
    %dma_start3A_42 = tpu.memref_slice %arg5[%dma_start3A_36, %dma_start3A_41] : memref<50x128xi32, #tpu.memory_space<vmem>> -> memref<1x128xi32, #tpu.memory_space<vmem>>
    %dma_start3A_43 = tpu.memref_squeeze %dma_start3A_42 : memref<1x128xi32, #tpu.memory_space<vmem>> -> memref<128xi32, #tpu.memory_space<vmem>>
    %dma_start3A_44 = arith.constant 0 : i32
    %dma_start3A_45 = arith.constant 0 : i32
    %dma_start3A_46 = tpu.memref_slice %arg3[%dma_start3A_44, %dma_start3A_45] : memref<100000x128xf32, #tpu.memory_space<hbm>> -> memref<100000x128xf32, #tpu.memory_space<hbm>>
    %dma_start3A_47 = tpu.memref_slice %arg7[%rem3A_35] : memref<7x!tpu.dma_semaphore, #tpu.memory_space<semaphore_mem>> -> memref<1x!tpu.dma_semaphore, #tpu.memory_space<semaphore_mem>>
    %dma_start3A_48 = tpu.memref_squeeze %dma_start3A_47 : memref<1x!tpu.dma_semaphore, #tpu.memory_space<semaphore_mem>> -> memref<!tpu.dma_semaphore, #tpu.memory_space<semaphore_mem>>
    tpu.enqueue_indirect_dma source(%dma_start3A_46 : memref<100000x128xf32, #tpu.memory_space<hbm>>) target(%dma_start3A_40 : memref<128x128xf32, #tpu.memory_space<vmem>>) offsets(%dma_start3A_43 : memref<128xi32, #tpu.memory_space<vmem>>) semaphore(%dma_start3A_48 : memref<!tpu.dma_semaphore, #tpu.memory_space<semaphore_mem>>)
    %rem3A_49 = arith.constant 3 : i32
    %rem3A_50 = arith.constant 7 : i32
    %rem3A_51 = arith.remsi %rem3A_49, %rem3A_50 : i32
    %dma_start3A_52 = arith.constant 3 : i32
    %dma_start3A_53 = arith.constant 0 : i32
    %dma_start3A_54 = arith.constant 0 : i32
    %dma_start3A_55 = tpu.memref_slice %arg6[%rem3A_51, %dma_start3A_53, %dma_start3A_54] : memref<7x128x128xf32, #tpu.memory_space<vmem>> -> memref<1x128x128xf32, #tpu.memory_space<vmem>>
    %dma_start3A_56 = tpu.memref_squeeze %dma_start3A_55 : memref<1x128x128xf32, #tpu.memory_space<vmem>> -> memref<128x128xf32, #tpu.memory_space<vmem>>
    %dma_start3A_57 = arith.constant 0 : i32
    %dma_start3A_58 = tpu.memref_slice %arg5[%dma_start3A_52, %dma_start3A_57] : memref<50x128xi32, #tpu.memory_space<vmem>> -> memref<1x128xi32, #tpu.memory_space<vmem>>
    %dma_start3A_59 = tpu.memref_squeeze %dma_start3A_58 : memref<1x128xi32, #tpu.memory_space<vmem>> -> memref<128xi32, #tpu.memory_space<vmem>>
    %dma_start3A_60 = arith.constant 0 : i32
    %dma_start3A_61 = arith.constant 0 : i32
    %dma_start3A_62 = tpu.memref_slice %arg3[%dma_start3A_60, %dma_start3A_61] : memref<100000x128xf32, #tpu.memory_space<hbm>> -> memref<100000x128xf32, #tpu.memory_space<hbm>>
    %dma_start3A_63 = tpu.memref_slice %arg7[%rem3A_51] : memref<7x!tpu.dma_semaphore, #tpu.memory_space<semaphore_mem>> -> memref<1x!tpu.dma_semaphore, #tpu.memory_space<semaphore_mem>>
    %dma_start3A_64 = tpu.memref_squeeze %dma_start3A_63 : memref<1x!tpu.dma_semaphore, #tpu.memory_space<semaphore_mem>> -> memref<!tpu.dma_semaphore, #tpu.memory_space<semaphore_mem>>
    tpu.enqueue_indirect_dma source(%dma_start3A_62 : memref<100000x128xf32, #tpu.memory_space<hbm>>) target(%dma_start3A_56 : memref<128x128xf32, #tpu.memory_space<vmem>>) offsets(%dma_start3A_59 : memref<128xi32, #tpu.memory_space<vmem>>) semaphore(%dma_start3A_64 : memref<!tpu.dma_semaphore, #tpu.memory_space<semaphore_mem>>)
    %scan3A = arith.constant 0 : i32
    %scan3A_65 = arith.constant 50 : i32
    %scan3A_66 = arith.addi %scan3A, %scan3A_65 : i32
    %scan3A_67 = arith.constant 1 : i32
    scf.for %scan3A_222 = %scan3A to %scan3A_66 step %scan3A_67  : i32 {
      %mul3A_223 = arith.constant 1 : i32
      %mul3A_224 = arith.muli %scan3A_222, %mul3A_223 : i32
      %add3A_225 = arith.constant 0 : i32
      %add3A_226 = arith.addi %add3A_225, %mul3A_224 : i32
      %rem3A_227 = arith.constant 7 : i32
      %rem3A_228 = arith.remsi %add3A_226, %rem3A_227 : i32
      %dma_wait3A_229 = arith.constant 0 : i32
      %dma_wait3A_230 = arith.constant 0 : i32
      %dma_wait3A_231 = tpu.memref_slice %arg6[%rem3A_228, %dma_wait3A_229, %dma_wait3A_230] : memref<7x128x128xf32, #tpu.memory_space<vmem>> -> memref<1x128x128xf32, #tpu.memory_space<vmem>>
      %dma_wait3A_232 = tpu.memref_squeeze %dma_wait3A_231 : memref<1x128x128xf32, #tpu.memory_space<vmem>> -> memref<128x128xf32, #tpu.memory_space<vmem>>
      %dma_wait3A_233 = arith.constant 0 : i32
      %dma_wait3A_234 = tpu.memref_slice %arg5[%add3A_226, %dma_wait3A_233] : memref<50x128xi32, #tpu.memory_space<vmem>> -> memref<1x128xi32, #tpu.memory_space<vmem>>
      %dma_wait3A_235 = tpu.memref_squeeze %dma_wait3A_234 : memref<1x128xi32, #tpu.memory_space<vmem>> -> memref<128xi32, #tpu.memory_space<vmem>>
      %dma_wait3A_236 = arith.constant 0 : i32
      %dma_wait3A_237 = arith.constant 0 : i32
      %dma_wait3A_238 = tpu.memref_slice %arg3[%dma_wait3A_236, %dma_wait3A_237] : memref<100000x128xf32, #tpu.memory_space<hbm>> -> memref<100000x128xf32, #tpu.memory_space<hbm>>
      %dma_wait3A_239 = tpu.memref_slice %arg7[%rem3A_228] : memref<7x!tpu.dma_semaphore, #tpu.memory_space<semaphore_mem>> -> memref<1x!tpu.dma_semaphore, #tpu.memory_space<semaphore_mem>>
      %dma_wait3A_240 = tpu.memref_squeeze %dma_wait3A_239 : memref<1x!tpu.dma_semaphore, #tpu.memory_space<semaphore_mem>> -> memref<!tpu.dma_semaphore, #tpu.memory_space<semaphore_mem>>
      tpu.wait_indirect_dma semaphore(%dma_wait3A_240 : memref<!tpu.dma_semaphore, #tpu.memory_space<semaphore_mem>>) src(%dma_wait3A_238 : memref<100000x128xf32, #tpu.memory_space<hbm>>) dst(%dma_wait3A_232 : memref<128x128xf32, #tpu.memory_space<vmem>>)
      %add3A_241 = arith.addi %mul3A_2, %add3A_226 : i32
      %dma_start3A_242 = arith.constant 0 : i32
      %dma_start3A_243 = arith.constant 0 : i32
      %dma_start3A_244 = tpu.memref_slice %arg6[%rem3A_228, %dma_start3A_242, %dma_start3A_243] : memref<7x128x128xf32, #tpu.memory_space<vmem>> -> memref<1x128x128xf32, #tpu.memory_space<vmem>>
      %dma_start3A_245 = tpu.memref_squeeze %dma_start3A_244 : memref<1x128x128xf32, #tpu.memory_space<vmem>> -> memref<128x128xf32, #tpu.memory_space<vmem>>
      %dma_start3A_246 = arith.constant 0 : i32
      %dma_start3A_247 = arith.constant 0 : i32
      %dma_start3A_248 = tpu.memref_slice %arg4[%add3A_241, %dma_start3A_246, %dma_start3A_247] : memref<1600x128x128xf32, #tpu.memory_space<hbm>> -> memref<1x128x128xf32, #tpu.memory_space<hbm>>
      %dma_start3A_249 = tpu.memref_squeeze %dma_start3A_248 : memref<1x128x128xf32, #tpu.memory_space<hbm>> -> memref<128x128xf32, #tpu.memory_space<hbm>>
      %dma_start3A_250 = tpu.memref_slice %arg8[%rem3A_228] : memref<7x!tpu.dma_semaphore, #tpu.memory_space<semaphore_mem>> -> memref<1x!tpu.dma_semaphore, #tpu.memory_space<semaphore_mem>>
      %dma_start3A_251 = tpu.memref_squeeze %dma_start3A_250 : memref<1x!tpu.dma_semaphore, #tpu.memory_space<semaphore_mem>> -> memref<!tpu.dma_semaphore, #tpu.memory_space<semaphore_mem>>
      %dma_start3A_252 = arith.constant 0 : i32
      %dma_start3A_253 = arith.constant 0 : i32
      %dma_start3A_254 = tpu.memref_slice %arg4[%add3A_241, %dma_start3A_252, %dma_start3A_253] : memref<1600x128x128xf32, #tpu.memory_space<hbm>> -> memref<1x128x128xf32, #tpu.memory_space<hbm>>
      %dma_start3A_255 = tpu.memref_squeeze %dma_start3A_254 : memref<1x128x128xf32, #tpu.memory_space<hbm>> -> memref<128x128xf32, #tpu.memory_space<hbm>>
      %dma_start3A_256 = arith.constant 0 : i32
      %dma_start3A_257 = arith.constant 0 : i32
      %dma_start3A_258 = tpu.memref_slice %arg6[%rem3A_228, %dma_start3A_256, %dma_start3A_257] : memref<7x128x128xf32, #tpu.memory_space<vmem>> -> memref<1x128x128xf32, #tpu.memory_space<vmem>>
      %dma_start3A_259 = tpu.memref_squeeze %dma_start3A_258 : memref<1x128x128xf32, #tpu.memory_space<vmem>> -> memref<128x128xf32, #tpu.memory_space<vmem>>
      tpu.enqueue_dma source(%dma_start3A_259 : memref<128x128xf32, #tpu.memory_space<vmem>>) target(%dma_start3A_255 : memref<128x128xf32, #tpu.memory_space<hbm>>) target_semaphore(%dma_start3A_251 : memref<!tpu.dma_semaphore, #tpu.memory_space<semaphore_mem>>)
      %add3A_260 = arith.constant 4 : i32
      %add3A_261 = arith.addi %add3A_226, %add3A_260 : i32
      %lt3A = arith.constant 50 : i32
      %lt3A_262 = arith.cmpi slt, %add3A_261, %lt3A : i32
      %convert_element_type3A = arith.extui %lt3A_262 : i1 to i32
      %cond3A = arith.constant 0 : i32
      %cond3A_263 = arith.cmpi ne, %convert_element_type3A, %cond3A : i32
      scf.if %cond3A_263 {
        %add3A_264 = arith.constant 4 : i32
        %add3A_265 = arith.addi %add3A_226, %add3A_264 : i32
        %rem3A_266 = arith.constant 7 : i32
        %rem3A_267 = arith.remsi %add3A_265, %rem3A_266 : i32
        %ge3A = arith.constant 3 : i32
        %ge3A_268 = arith.cmpi sge, %add3A_226, %ge3A : i32
        %convert_element_type3A_269 = arith.extui %ge3A_268 : i1 to i32
        %cond3A_270 = arith.constant 0 : i32
        %cond3A_271 = arith.cmpi ne, %convert_element_type3A_269, %cond3A_270 : i32
        scf.if %cond3A_271 {
          %add3A_288 = arith.addi %mul3A_2, %add3A_226 : i32
          %add3A_289 = arith.constant 4 : i32
          %add3A_290 = arith.addi %add3A_288, %add3A_289 : i32
          %sub3A = arith.constant 7 : i32
          %sub3A_291 = arith.subi %add3A_290, %sub3A : i32
          %dma_wait3A_292 = arith.constant 0 : i32
          %dma_wait3A_293 = arith.constant 0 : i32
          %dma_wait3A_294 = tpu.memref_slice %arg6[%rem3A_267, %dma_wait3A_292, %dma_wait3A_293] : memref<7x128x128xf32, #tpu.memory_space<vmem>> -> memref<1x128x128xf32, #tpu.memory_space<vmem>>
          %dma_wait3A_295 = tpu.memref_squeeze %dma_wait3A_294 : memref<1x128x128xf32, #tpu.memory_space<vmem>> -> memref<128x128xf32, #tpu.memory_space<vmem>>
          %dma_wait3A_296 = arith.constant 0 : i32
          %dma_wait3A_297 = arith.constant 0 : i32
          %dma_wait3A_298 = tpu.memref_slice %arg4[%sub3A_291, %dma_wait3A_296, %dma_wait3A_297] : memref<1600x128x128xf32, #tpu.memory_space<hbm>> -> memref<1x128x128xf32, #tpu.memory_space<hbm>>
          %dma_wait3A_299 = tpu.memref_squeeze %dma_wait3A_298 : memref<1x128x128xf32, #tpu.memory_space<hbm>> -> memref<128x128xf32, #tpu.memory_space<hbm>>
          %dma_wait3A_300 = tpu.memref_slice %arg8[%rem3A_267] : memref<7x!tpu.dma_semaphore, #tpu.memory_space<semaphore_mem>> -> memref<1x!tpu.dma_semaphore, #tpu.memory_space<semaphore_mem>>
          %dma_wait3A_301 = tpu.memref_squeeze %dma_wait3A_300 : memref<1x!tpu.dma_semaphore, #tpu.memory_space<semaphore_mem>> -> memref<!tpu.dma_semaphore, #tpu.memory_space<semaphore_mem>>
          %dma_wait3A_302 = arith.constant 0 : i32
          %dma_wait3A_303 = arith.constant 0 : i32
          %dma_wait3A_304 = tpu.memref_slice %arg4[%sub3A_291, %dma_wait3A_302, %dma_wait3A_303] : memref<1600x128x128xf32, #tpu.memory_space<hbm>> -> memref<1x128x128xf32, #tpu.memory_space<hbm>>
          %dma_wait3A_305 = tpu.memref_squeeze %dma_wait3A_304 : memref<1x128x128xf32, #tpu.memory_space<hbm>> -> memref<128x128xf32, #tpu.memory_space<hbm>>
          %dma_wait3A_306 = arith.constant 0 : i32
          %dma_wait3A_307 = arith.constant 0 : i32
          %dma_wait3A_308 = tpu.memref_slice %arg6[%rem3A_267, %dma_wait3A_306, %dma_wait3A_307] : memref<7x128x128xf32, #tpu.memory_space<vmem>> -> memref<1x128x128xf32, #tpu.memory_space<vmem>>
          %dma_wait3A_309 = tpu.memref_squeeze %dma_wait3A_308 : memref<1x128x128xf32, #tpu.memory_space<vmem>> -> memref<128x128xf32, #tpu.memory_space<vmem>>
          tpu.wait_dma2 semaphore(%dma_wait3A_301 : memref<!tpu.dma_semaphore, #tpu.memory_space<semaphore_mem>>) src(%dma_wait3A_309 : memref<128x128xf32, #tpu.memory_space<vmem>>) dst(%dma_wait3A_305 : memref<128x128xf32, #tpu.memory_space<hbm>>)
        } else {
        }
        %add3A_272 = arith.constant 4 : i32
        %add3A_273 = arith.addi %add3A_226, %add3A_272 : i32
        %rem3A_274 = arith.constant 7 : i32
        %rem3A_275 = arith.remsi %add3A_273, %rem3A_274 : i32
        %dma_start3A_276 = arith.constant 0 : i32
        %dma_start3A_277 = arith.constant 0 : i32
        %dma_start3A_278 = tpu.memref_slice %arg6[%rem3A_275, %dma_start3A_276, %dma_start3A_277] : memref<7x128x128xf32, #tpu.memory_space<vmem>> -> memref<1x128x128xf32, #tpu.memory_space<vmem>>
        %dma_start3A_279 = tpu.memref_squeeze %dma_start3A_278 : memref<1x128x128xf32, #tpu.memory_space<vmem>> -> memref<128x128xf32, #tpu.memory_space<vmem>>
        %dma_start3A_280 = arith.constant 0 : i32
        %dma_start3A_281 = tpu.memref_slice %arg5[%add3A_273, %dma_start3A_280] : memref<50x128xi32, #tpu.memory_space<vmem>> -> memref<1x128xi32, #tpu.memory_space<vmem>>
        %dma_start3A_282 = tpu.memref_squeeze %dma_start3A_281 : memref<1x128xi32, #tpu.memory_space<vmem>> -> memref<128xi32, #tpu.memory_space<vmem>>
        %dma_start3A_283 = arith.constant 0 : i32
        %dma_start3A_284 = arith.constant 0 : i32
        %dma_start3A_285 = tpu.memref_slice %arg3[%dma_start3A_283, %dma_start3A_284] : memref<100000x128xf32, #tpu.memory_space<hbm>> -> memref<100000x128xf32, #tpu.memory_space<hbm>>
        %dma_start3A_286 = tpu.memref_slice %arg7[%rem3A_275] : memref<7x!tpu.dma_semaphore, #tpu.memory_space<semaphore_mem>> -> memref<1x!tpu.dma_semaphore, #tpu.memory_space<semaphore_mem>>
        %dma_start3A_287 = tpu.memref_squeeze %dma_start3A_286 : memref<1x!tpu.dma_semaphore, #tpu.memory_space<semaphore_mem>> -> memref<!tpu.dma_semaphore, #tpu.memory_space<semaphore_mem>>
        tpu.enqueue_indirect_dma source(%dma_start3A_285 : memref<100000x128xf32, #tpu.memory_space<hbm>>) target(%dma_start3A_279 : memref<128x128xf32, #tpu.memory_space<vmem>>) offsets(%dma_start3A_282 : memref<128xi32, #tpu.memory_space<vmem>>) semaphore(%dma_start3A_287 : memref<!tpu.dma_semaphore, #tpu.memory_space<semaphore_mem>>)
      } else {
      }
    }
    %scan3A_68 = arith.constant 50 : i32
    %add3A_69 = arith.constant 43 : i32
    %add3A_70 = arith.addi %mul3A_2, %add3A_69 : i32
    %dma_wait3A = arith.constant 1 : i32
    %dma_wait3A_71 = arith.constant 1 : i32
    %dma_wait3A_72 = arith.constant 0 : i32
    %dma_wait3A_73 = arith.constant 0 : i32
    %dma_wait3A_74 = tpu.memref_slice %arg6[%dma_wait3A, %dma_wait3A_72, %dma_wait3A_73] : memref<7x128x128xf32, #tpu.memory_space<vmem>> -> memref<1x128x128xf32, #tpu.memory_space<vmem>>
    %dma_wait3A_75 = tpu.memref_squeeze %dma_wait3A_74 : memref<1x128x128xf32, #tpu.memory_space<vmem>> -> memref<128x128xf32, #tpu.memory_space<vmem>>
    %dma_wait3A_76 = arith.constant 0 : i32
    %dma_wait3A_77 = arith.constant 0 : i32
    %dma_wait3A_78 = tpu.memref_slice %arg4[%add3A_70, %dma_wait3A_76, %dma_wait3A_77] : memref<1600x128x128xf32, #tpu.memory_space<hbm>> -> memref<1x128x128xf32, #tpu.memory_space<hbm>>
    %dma_wait3A_79 = tpu.memref_squeeze %dma_wait3A_78 : memref<1x128x128xf32, #tpu.memory_space<hbm>> -> memref<128x128xf32, #tpu.memory_space<hbm>>
    %dma_wait3A_80 = tpu.memref_slice %arg8[%dma_wait3A_71] : memref<7x!tpu.dma_semaphore, #tpu.memory_space<semaphore_mem>> -> memref<1x!tpu.dma_semaphore, #tpu.memory_space<semaphore_mem>>
    %dma_wait3A_81 = tpu.memref_squeeze %dma_wait3A_80 : memref<1x!tpu.dma_semaphore, #tpu.memory_space<semaphore_mem>> -> memref<!tpu.dma_semaphore, #tpu.memory_space<semaphore_mem>>
    %dma_wait3A_82 = arith.constant 0 : i32
    %dma_wait3A_83 = arith.constant 0 : i32
    %dma_wait3A_84 = tpu.memref_slice %arg4[%add3A_70, %dma_wait3A_82, %dma_wait3A_83] : memref<1600x128x128xf32, #tpu.memory_space<hbm>> -> memref<1x128x128xf32, #tpu.memory_space<hbm>>
    %dma_wait3A_85 = tpu.memref_squeeze %dma_wait3A_84 : memref<1x128x128xf32, #tpu.memory_space<hbm>> -> memref<128x128xf32, #tpu.memory_space<hbm>>
    %dma_wait3A_86 = arith.constant 0 : i32
    %dma_wait3A_87 = arith.constant 0 : i32
    %dma_wait3A_88 = tpu.memref_slice %arg6[%dma_wait3A, %dma_wait3A_86, %dma_wait3A_87] : memref<7x128x128xf32, #tpu.memory_space<vmem>> -> memref<1x128x128xf32, #tpu.memory_space<vmem>>
    %dma_wait3A_89 = tpu.memref_squeeze %dma_wait3A_88 : memref<1x128x128xf32, #tpu.memory_space<vmem>> -> memref<128x128xf32, #tpu.memory_space<vmem>>
    tpu.wait_dma2 semaphore(%dma_wait3A_81 : memref<!tpu.dma_semaphore, #tpu.memory_space<semaphore_mem>>) src(%dma_wait3A_89 : memref<128x128xf32, #tpu.memory_space<vmem>>) dst(%dma_wait3A_85 : memref<128x128xf32, #tpu.memory_space<hbm>>)
    %add3A_90 = arith.constant 44 : i32
    %add3A_91 = arith.addi %mul3A_2, %add3A_90 : i32
    %dma_wait3A_92 = arith.constant 2 : i32
    %dma_wait3A_93 = arith.constant 2 : i32
    %dma_wait3A_94 = arith.constant 0 : i32
    %dma_wait3A_95 = arith.constant 0 : i32
    %dma_wait3A_96 = tpu.memref_slice %arg6[%dma_wait3A_92, %dma_wait3A_94, %dma_wait3A_95] : memref<7x128x128xf32, #tpu.memory_space<vmem>> -> memref<1x128x128xf32, #tpu.memory_space<vmem>>
    %dma_wait3A_97 = tpu.memref_squeeze %dma_wait3A_96 : memref<1x128x128xf32, #tpu.memory_space<vmem>> -> memref<128x128xf32, #tpu.memory_space<vmem>>
    %dma_wait3A_98 = arith.constant 0 : i32
    %dma_wait3A_99 = arith.constant 0 : i32
    %dma_wait3A_100 = tpu.memref_slice %arg4[%add3A_91, %dma_wait3A_98, %dma_wait3A_99] : memref<1600x128x128xf32, #tpu.memory_space<hbm>> -> memref<1x128x128xf32, #tpu.memory_space<hbm>>
    %dma_wait3A_101 = tpu.memref_squeeze %dma_wait3A_100 : memref<1x128x128xf32, #tpu.memory_space<hbm>> -> memref<128x128xf32, #tpu.memory_space<hbm>>
    %dma_wait3A_102 = tpu.memref_slice %arg8[%dma_wait3A_93] : memref<7x!tpu.dma_semaphore, #tpu.memory_space<semaphore_mem>> -> memref<1x!tpu.dma_semaphore, #tpu.memory_space<semaphore_mem>>
    %dma_wait3A_103 = tpu.memref_squeeze %dma_wait3A_102 : memref<1x!tpu.dma_semaphore, #tpu.memory_space<semaphore_mem>> -> memref<!tpu.dma_semaphore, #tpu.memory_space<semaphore_mem>>
    %dma_wait3A_104 = arith.constant 0 : i32
    %dma_wait3A_105 = arith.constant 0 : i32
    %dma_wait3A_106 = tpu.memref_slice %arg4[%add3A_91, %dma_wait3A_104, %dma_wait3A_105] : memref<1600x128x128xf32, #tpu.memory_space<hbm>> -> memref<1x128x128xf32, #tpu.memory_space<hbm>>
    %dma_wait3A_107 = tpu.memref_squeeze %dma_wait3A_106 : memref<1x128x128xf32, #tpu.memory_space<hbm>> -> memref<128x128xf32, #tpu.memory_space<hbm>>
    %dma_wait3A_108 = arith.constant 0 : i32
    %dma_wait3A_109 = arith.constant 0 : i32
    %dma_wait3A_110 = tpu.memref_slice %arg6[%dma_wait3A_92, %dma_wait3A_108, %dma_wait3A_109] : memref<7x128x128xf32, #tpu.memory_space<vmem>> -> memref<1x128x128xf32, #tpu.memory_space<vmem>>
    %dma_wait3A_111 = tpu.memref_squeeze %dma_wait3A_110 : memref<1x128x128xf32, #tpu.memory_space<vmem>> -> memref<128x128xf32, #tpu.memory_space<vmem>>
    tpu.wait_dma2 semaphore(%dma_wait3A_103 : memref<!tpu.dma_semaphore, #tpu.memory_space<semaphore_mem>>) src(%dma_wait3A_111 : memref<128x128xf32, #tpu.memory_space<vmem>>) dst(%dma_wait3A_107 : memref<128x128xf32, #tpu.memory_space<hbm>>)
    %add3A_112 = arith.constant 45 : i32
    %add3A_113 = arith.addi %mul3A_2, %add3A_112 : i32
    %dma_wait3A_114 = arith.constant 3 : i32
    %dma_wait3A_115 = arith.constant 3 : i32
    %dma_wait3A_116 = arith.constant 0 : i32
    %dma_wait3A_117 = arith.constant 0 : i32
    %dma_wait3A_118 = tpu.memref_slice %arg6[%dma_wait3A_114, %dma_wait3A_116, %dma_wait3A_117] : memref<7x128x128xf32, #tpu.memory_space<vmem>> -> memref<1x128x128xf32, #tpu.memory_space<vmem>>
    %dma_wait3A_119 = tpu.memref_squeeze %dma_wait3A_118 : memref<1x128x128xf32, #tpu.memory_space<vmem>> -> memref<128x128xf32, #tpu.memory_space<vmem>>
    %dma_wait3A_120 = arith.constant 0 : i32
    %dma_wait3A_121 = arith.constant 0 : i32
    %dma_wait3A_122 = tpu.memref_slice %arg4[%add3A_113, %dma_wait3A_120, %dma_wait3A_121] : memref<1600x128x128xf32, #tpu.memory_space<hbm>> -> memref<1x128x128xf32, #tpu.memory_space<hbm>>
    %dma_wait3A_123 = tpu.memref_squeeze %dma_wait3A_122 : memref<1x128x128xf32, #tpu.memory_space<hbm>> -> memref<128x128xf32, #tpu.memory_space<hbm>>
    %dma_wait3A_124 = tpu.memref_slice %arg8[%dma_wait3A_115] : memref<7x!tpu.dma_semaphore, #tpu.memory_space<semaphore_mem>> -> memref<1x!tpu.dma_semaphore, #tpu.memory_space<semaphore_mem>>
    %dma_wait3A_125 = tpu.memref_squeeze %dma_wait3A_124 : memref<1x!tpu.dma_semaphore, #tpu.memory_space<semaphore_mem>> -> memref<!tpu.dma_semaphore, #tpu.memory_space<semaphore_mem>>
    %dma_wait3A_126 = arith.constant 0 : i32
    %dma_wait3A_127 = arith.constant 0 : i32
    %dma_wait3A_128 = tpu.memref_slice %arg4[%add3A_113, %dma_wait3A_126, %dma_wait3A_127] : memref<1600x128x128xf32, #tpu.memory_space<hbm>> -> memref<1x128x128xf32, #tpu.memory_space<hbm>>
    %dma_wait3A_129 = tpu.memref_squeeze %dma_wait3A_128 : memref<1x128x128xf32, #tpu.memory_space<hbm>> -> memref<128x128xf32, #tpu.memory_space<hbm>>
    %dma_wait3A_130 = arith.constant 0 : i32
    %dma_wait3A_131 = arith.constant 0 : i32
    %dma_wait3A_132 = tpu.memref_slice %arg6[%dma_wait3A_114, %dma_wait3A_130, %dma_wait3A_131] : memref<7x128x128xf32, #tpu.memory_space<vmem>> -> memref<1x128x128xf32, #tpu.memory_space<vmem>>
    %dma_wait3A_133 = tpu.memref_squeeze %dma_wait3A_132 : memref<1x128x128xf32, #tpu.memory_space<vmem>> -> memref<128x128xf32, #tpu.memory_space<vmem>>
    tpu.wait_dma2 semaphore(%dma_wait3A_125 : memref<!tpu.dma_semaphore, #tpu.memory_space<semaphore_mem>>) src(%dma_wait3A_133 : memref<128x128xf32, #tpu.memory_space<vmem>>) dst(%dma_wait3A_129 : memref<128x128xf32, #tpu.memory_space<hbm>>)
    %add3A_134 = arith.constant 46 : i32
    %add3A_135 = arith.addi %mul3A_2, %add3A_134 : i32
    %dma_wait3A_136 = arith.constant 4 : i32
    %dma_wait3A_137 = arith.constant 4 : i32
    %dma_wait3A_138 = arith.constant 0 : i32
    %dma_wait3A_139 = arith.constant 0 : i32
    %dma_wait3A_140 = tpu.memref_slice %arg6[%dma_wait3A_136, %dma_wait3A_138, %dma_wait3A_139] : memref<7x128x128xf32, #tpu.memory_space<vmem>> -> memref<1x128x128xf32, #tpu.memory_space<vmem>>
    %dma_wait3A_141 = tpu.memref_squeeze %dma_wait3A_140 : memref<1x128x128xf32, #tpu.memory_space<vmem>> -> memref<128x128xf32, #tpu.memory_space<vmem>>
    %dma_wait3A_142 = arith.constant 0 : i32
    %dma_wait3A_143 = arith.constant 0 : i32
    %dma_wait3A_144 = tpu.memref_slice %arg4[%add3A_135, %dma_wait3A_142, %dma_wait3A_143] : memref<1600x128x128xf32, #tpu.memory_space<hbm>> -> memref<1x128x128xf32, #tpu.memory_space<hbm>>
    %dma_wait3A_145 = tpu.memref_squeeze %dma_wait3A_144 : memref<1x128x128xf32, #tpu.memory_space<hbm>> -> memref<128x128xf32, #tpu.memory_space<hbm>>
    %dma_wait3A_146 = tpu.memref_slice %arg8[%dma_wait3A_137] : memref<7x!tpu.dma_semaphore, #tpu.memory_space<semaphore_mem>> -> memref<1x!tpu.dma_semaphore, #tpu.memory_space<semaphore_mem>>
    %dma_wait3A_147 = tpu.memref_squeeze %dma_wait3A_146 : memref<1x!tpu.dma_semaphore, #tpu.memory_space<semaphore_mem>> -> memref<!tpu.dma_semaphore, #tpu.memory_space<semaphore_mem>>
    %dma_wait3A_148 = arith.constant 0 : i32
    %dma_wait3A_149 = arith.constant 0 : i32
    %dma_wait3A_150 = tpu.memref_slice %arg4[%add3A_135, %dma_wait3A_148, %dma_wait3A_149] : memref<1600x128x128xf32, #tpu.memory_space<hbm>> -> memref<1x128x128xf32, #tpu.memory_space<hbm>>
    %dma_wait3A_151 = tpu.memref_squeeze %dma_wait3A_150 : memref<1x128x128xf32, #tpu.memory_space<hbm>> -> memref<128x128xf32, #tpu.memory_space<hbm>>
    %dma_wait3A_152 = arith.constant 0 : i32
    %dma_wait3A_153 = arith.constant 0 : i32
    %dma_wait3A_154 = tpu.memref_slice %arg6[%dma_wait3A_136, %dma_wait3A_152, %dma_wait3A_153] : memref<7x128x128xf32, #tpu.memory_space<vmem>> -> memref<1x128x128xf32, #tpu.memory_space<vmem>>
    %dma_wait3A_155 = tpu.memref_squeeze %dma_wait3A_154 : memref<1x128x128xf32, #tpu.memory_space<vmem>> -> memref<128x128xf32, #tpu.memory_space<vmem>>
    tpu.wait_dma2 semaphore(%dma_wait3A_147 : memref<!tpu.dma_semaphore, #tpu.memory_space<semaphore_mem>>) src(%dma_wait3A_155 : memref<128x128xf32, #tpu.memory_space<vmem>>) dst(%dma_wait3A_151 : memref<128x128xf32, #tpu.memory_space<hbm>>)
    %add3A_156 = arith.constant 47 : i32
    %add3A_157 = arith.addi %mul3A_2, %add3A_156 : i32
    %dma_wait3A_158 = arith.constant 5 : i32
    %dma_wait3A_159 = arith.constant 5 : i32
    %dma_wait3A_160 = arith.constant 0 : i32
    %dma_wait3A_161 = arith.constant 0 : i32
    %dma_wait3A_162 = tpu.memref_slice %arg6[%dma_wait3A_158, %dma_wait3A_160, %dma_wait3A_161] : memref<7x128x128xf32, #tpu.memory_space<vmem>> -> memref<1x128x128xf32, #tpu.memory_space<vmem>>
    %dma_wait3A_163 = tpu.memref_squeeze %dma_wait3A_162 : memref<1x128x128xf32, #tpu.memory_space<vmem>> -> memref<128x128xf32, #tpu.memory_space<vmem>>
    %dma_wait3A_164 = arith.constant 0 : i32
    %dma_wait3A_165 = arith.constant 0 : i32
    %dma_wait3A_166 = tpu.memref_slice %arg4[%add3A_157, %dma_wait3A_164, %dma_wait3A_165] : memref<1600x128x128xf32, #tpu.memory_space<hbm>> -> memref<1x128x128xf32, #tpu.memory_space<hbm>>
    %dma_wait3A_167 = tpu.memref_squeeze %dma_wait3A_166 : memref<1x128x128xf32, #tpu.memory_space<hbm>> -> memref<128x128xf32, #tpu.memory_space<hbm>>
    %dma_wait3A_168 = tpu.memref_slice %arg8[%dma_wait3A_159] : memref<7x!tpu.dma_semaphore, #tpu.memory_space<semaphore_mem>> -> memref<1x!tpu.dma_semaphore, #tpu.memory_space<semaphore_mem>>
    %dma_wait3A_169 = tpu.memref_squeeze %dma_wait3A_168 : memref<1x!tpu.dma_semaphore, #tpu.memory_space<semaphore_mem>> -> memref<!tpu.dma_semaphore, #tpu.memory_space<semaphore_mem>>
    %dma_wait3A_170 = arith.constant 0 : i32
    %dma_wait3A_171 = arith.constant 0 : i32
    %dma_wait3A_172 = tpu.memref_slice %arg4[%add3A_157, %dma_wait3A_170, %dma_wait3A_171] : memref<1600x128x128xf32, #tpu.memory_space<hbm>> -> memref<1x128x128xf32, #tpu.memory_space<hbm>>
    %dma_wait3A_173 = tpu.memref_squeeze %dma_wait3A_172 : memref<1x128x128xf32, #tpu.memory_space<hbm>> -> memref<128x128xf32, #tpu.memory_space<hbm>>
    %dma_wait3A_174 = arith.constant 0 : i32
    %dma_wait3A_175 = arith.constant 0 : i32
    %dma_wait3A_176 = tpu.memref_slice %arg6[%dma_wait3A_158, %dma_wait3A_174, %dma_wait3A_175] : memref<7x128x128xf32, #tpu.memory_space<vmem>> -> memref<1x128x128xf32, #tpu.memory_space<vmem>>
    %dma_wait3A_177 = tpu.memref_squeeze %dma_wait3A_176 : memref<1x128x128xf32, #tpu.memory_space<vmem>> -> memref<128x128xf32, #tpu.memory_space<vmem>>
    tpu.wait_dma2 semaphore(%dma_wait3A_169 : memref<!tpu.dma_semaphore, #tpu.memory_space<semaphore_mem>>) src(%dma_wait3A_177 : memref<128x128xf32, #tpu.memory_space<vmem>>) dst(%dma_wait3A_173 : memref<128x128xf32, #tpu.memory_space<hbm>>)
    %add3A_178 = arith.constant 48 : i32
    %add3A_179 = arith.addi %mul3A_2, %add3A_178 : i32
    %dma_wait3A_180 = arith.constant 6 : i32
    %dma_wait3A_181 = arith.constant 6 : i32
    %dma_wait3A_182 = arith.constant 0 : i32
    %dma_wait3A_183 = arith.constant 0 : i32
    %dma_wait3A_184 = tpu.memref_slice %arg6[%dma_wait3A_180, %dma_wait3A_182, %dma_wait3A_183] : memref<7x128x128xf32, #tpu.memory_space<vmem>> -> memref<1x128x128xf32, #tpu.memory_space<vmem>>
    %dma_wait3A_185 = tpu.memref_squeeze %dma_wait3A_184 : memref<1x128x128xf32, #tpu.memory_space<vmem>> -> memref<128x128xf32, #tpu.memory_space<vmem>>
    %dma_wait3A_186 = arith.constant 0 : i32
    %dma_wait3A_187 = arith.constant 0 : i32
    %dma_wait3A_188 = tpu.memref_slice %arg4[%add3A_179, %dma_wait3A_186, %dma_wait3A_187] : memref<1600x128x128xf32, #tpu.memory_space<hbm>> -> memref<1x128x128xf32, #tpu.memory_space<hbm>>
    %dma_wait3A_189 = tpu.memref_squeeze %dma_wait3A_188 : memref<1x128x128xf32, #tpu.memory_space<hbm>> -> memref<128x128xf32, #tpu.memory_space<hbm>>
    %dma_wait3A_190 = tpu.memref_slice %arg8[%dma_wait3A_181] : memref<7x!tpu.dma_semaphore, #tpu.memory_space<semaphore_mem>> -> memref<1x!tpu.dma_semaphore, #tpu.memory_space<semaphore_mem>>
    %dma_wait3A_191 = tpu.memref_squeeze %dma_wait3A_190 : memref<1x!tpu.dma_semaphore, #tpu.memory_space<semaphore_mem>> -> memref<!tpu.dma_semaphore, #tpu.memory_space<semaphore_mem>>
    %dma_wait3A_192 = arith.constant 0 : i32
    %dma_wait3A_193 = arith.constant 0 : i32
    %dma_wait3A_194 = tpu.memref_slice %arg4[%add3A_179, %dma_wait3A_192, %dma_wait3A_193] : memref<1600x128x128xf32, #tpu.memory_space<hbm>> -> memref<1x128x128xf32, #tpu.memory_space<hbm>>
    %dma_wait3A_195 = tpu.memref_squeeze %dma_wait3A_194 : memref<1x128x128xf32, #tpu.memory_space<hbm>> -> memref<128x128xf32, #tpu.memory_space<hbm>>
    %dma_wait3A_196 = arith.constant 0 : i32
    %dma_wait3A_197 = arith.constant 0 : i32
    %dma_wait3A_198 = tpu.memref_slice %arg6[%dma_wait3A_180, %dma_wait3A_196, %dma_wait3A_197] : memref<7x128x128xf32, #tpu.memory_space<vmem>> -> memref<1x128x128xf32, #tpu.memory_space<vmem>>
    %dma_wait3A_199 = tpu.memref_squeeze %dma_wait3A_198 : memref<1x128x128xf32, #tpu.memory_space<vmem>> -> memref<128x128xf32, #tpu.memory_space<vmem>>
    tpu.wait_dma2 semaphore(%dma_wait3A_191 : memref<!tpu.dma_semaphore, #tpu.memory_space<semaphore_mem>>) src(%dma_wait3A_199 : memref<128x128xf32, #tpu.memory_space<vmem>>) dst(%dma_wait3A_195 : memref<128x128xf32, #tpu.memory_space<hbm>>)
    %add3A_200 = arith.constant 49 : i32
    %add3A_201 = arith.addi %mul3A_2, %add3A_200 : i32
    %dma_wait3A_202 = arith.constant 0 : i32
    %dma_wait3A_203 = arith.constant 0 : i32
    %dma_wait3A_204 = arith.constant 0 : i32
    %dma_wait3A_205 = arith.constant 0 : i32
    %dma_wait3A_206 = tpu.memref_slice %arg6[%dma_wait3A_202, %dma_wait3A_204, %dma_wait3A_205] : memref<7x128x128xf32, #tpu.memory_space<vmem>> -> memref<1x128x128xf32, #tpu.memory_space<vmem>>
    %dma_wait3A_207 = tpu.memref_squeeze %dma_wait3A_206 : memref<1x128x128xf32, #tpu.memory_space<vmem>> -> memref<128x128xf32, #tpu.memory_space<vmem>>
    %dma_wait3A_208 = arith.constant 0 : i32
    %dma_wait3A_209 = arith.constant 0 : i32
    %dma_wait3A_210 = tpu.memref_slice %arg4[%add3A_201, %dma_wait3A_208, %dma_wait3A_209] : memref<1600x128x128xf32, #tpu.memory_space<hbm>> -> memref<1x128x128xf32, #tpu.memory_space<hbm>>
    %dma_wait3A_211 = tpu.memref_squeeze %dma_wait3A_210 : memref<1x128x128xf32, #tpu.memory_space<hbm>> -> memref<128x128xf32, #tpu.memory_space<hbm>>
    %dma_wait3A_212 = tpu.memref_slice %arg8[%dma_wait3A_203] : memref<7x!tpu.dma_semaphore, #tpu.memory_space<semaphore_mem>> -> memref<1x!tpu.dma_semaphore, #tpu.memory_space<semaphore_mem>>
    %dma_wait3A_213 = tpu.memref_squeeze %dma_wait3A_212 : memref<1x!tpu.dma_semaphore, #tpu.memory_space<semaphore_mem>> -> memref<!tpu.dma_semaphore, #tpu.memory_space<semaphore_mem>>
    %dma_wait3A_214 = arith.constant 0 : i32
    %dma_wait3A_215 = arith.constant 0 : i32
    %dma_wait3A_216 = tpu.memref_slice %arg4[%add3A_201, %dma_wait3A_214, %dma_wait3A_215] : memref<1600x128x128xf32, #tpu.memory_space<hbm>> -> memref<1x128x128xf32, #tpu.memory_space<hbm>>
    %dma_wait3A_217 = tpu.memref_squeeze %dma_wait3A_216 : memref<1x128x128xf32, #tpu.memory_space<hbm>> -> memref<128x128xf32, #tpu.memory_space<hbm>>
    %dma_wait3A_218 = arith.constant 0 : i32
    %dma_wait3A_219 = arith.constant 0 : i32
    %dma_wait3A_220 = tpu.memref_slice %arg6[%dma_wait3A_202, %dma_wait3A_218, %dma_wait3A_219] : memref<7x128x128xf32, #tpu.memory_space<vmem>> -> memref<1x128x128xf32, #tpu.memory_space<vmem>>
    %dma_wait3A_221 = tpu.memref_squeeze %dma_wait3A_220 : memref<1x128x128xf32, #tpu.memory_space<vmem>> -> memref<128x128xf32, #tpu.memory_space<vmem>>
    tpu.wait_dma2 semaphore(%dma_wait3A_213 : memref<!tpu.dma_semaphore, #tpu.memory_space<semaphore_mem>>) src(%dma_wait3A_221 : memref<128x128xf32, #tpu.memory_space<vmem>>) dst(%dma_wait3A_217 : memref<128x128xf32, #tpu.memory_space<hbm>>)
    return
  }
}

</mosaic_0001>

<sc_bundles>
// kernel: kernel.3.cloned.1.call-start
scs
__scs_entry_jumppad:
0x0: {  	(pc) =	sbr.rel $0x88, $3  }
0x1: {  	(tag) =	ssettag $0x0;
	lr =	simm.s32 $0x1  }
0x2: {  	[smem:$0x3F9F] =	sst lr;
	_ =	strace $0xD0000000  }
0x3: {  	_ = 	snop  }
0x4: {  	_ = 	snop  }
0x5: {  	_ = 	snop  }
0x6: {  	_ = 	snop  }
0x7: {  	_ = 	snop  }
__scs_overlays_trampoline_lowered:
0x8: {  	[smem:$0x3FAE] =	sst s0  }
0x9: {  	[smem:$0x3FAF] =	sst s1  }
0xa: {  	[smem:$0x3FB0] =	sst s2  }
0xb: {  	[smem:$0x3FB1] =	sst s3  }
0xc: {  	[smem:$0x3FB2] =	sst s4  }
0xd: {  	[smem:$0x3FB3] =	sst s5  }
0xe: {  	[smem:$0x3FB4] =	sst s6  }
0xf: {  	[smem:$0x3FB5] =	sst s7  }
0x10: {  	[smem:$0x3FB6] =	sst s8  }
0x11: {  	[smem:$0x3FB7] =	sst s9;
	s0 =	simm.s32 @!p0 $0x0  }
0x12: {  	s1 =	sld [smem:$0x3F9D];
	s0 =	simm.s32 @p0 $0x1  }
0x13: {  	[smem:$0x3FB8] =	sst s0;
	s0 =	simm.s32 @!p1 $0x0  }
0x14: {  	s2 =	sld [smem:$0x3F9C];
	s0 =	simm.s32 @p1 $0x1  }
0x15: {  	[smem:$0x3FB9] =	sst s0;
	s0 =	simm.s32 @!p2 $0x0  }
0x16: {  	s3 =	sld [smem:$0x3FDB];
	s0 =	simm.s32 @p2 $0x1  }
0x17: {  	s4 =	simm.s32 $0x1BF5;
	[smem:$0x3FBB] =	sst s0  }
0x18: {  	s0 =	sld [smem:$0x3F9E];
	_ =	swait.ge [sflag:s4], $0x0  }
0x19: {  	s7 =	sld [smem:$0x3F9F]  }
0x1a: {  	s8 =	sadd.s32 $0xFFFFE003, lr  }
0x1b: {  	s9 =	sadd.s32 $0xFFFFFEF7, lr;
	s5 =	simm.s32 $0xFFFFFFFF;
	p2 =	slt.u32 s8, $0xFFFFF086  }
0x1c: {  	p1 =	slt.u32 s9, $0xF7A;
	s5 =	simm.s32 @!p2 $0x0  }
0x1d: {  	s5 =	simm.s32 @p1 $0x1;
	p0 =	seq.s32 s7, s2  }
0x1e: {  	s7 =	smul.u32 @!p0 $0xF7A, s2;
	p2 =	seq.s32 @!p0 s5, $0x0  }
0x1f: {  	s9 =	smul.u32 $0xF7A, s1;
	s8 =	simm.s32 @!p0 $0x1BF5;
	p2 =	por !p2, p0  }
0x20: {  	[sflag:s8] =	ssyncset.s32 @!p0 $0xFFFFF086;
	s6 =	sadd.s32 @!p0 s3, s7;
	s7 =	simm.s32 @!p0 $0x108  }
0x21: {  	s3 =	sadd.s32 s3, s9;
	s6 =	sadd.s32 @!p0 $0x88, s6;
	s7 =	simm.s32 @p2 $0x1082  }
0x22: {  	[simem:s7], [sflag:s8] =	dma.local @!p0 [hbm:s6], $0xF7A  }
0x23: {  	s9 =	sor.u32 $0xD0000000, s2;
	s6 =	simm.s32 $0x108;
	_ =	swait.ge @!p0 [sflag:s8], $0x0  }
0x24: {  	s3 =	sadd.s32 $0x88, s3;
	s6 =	simm.s32 @!p1 $0x1082;
	[sflag:s4] =	ssyncset.s32 $0xFFFFF086  }
0x25: {  	[simem:s6], [sflag:s4] =	dma.local [hbm:s3], $0xF7A  }
0x26: {  	[smem:$0x3F9F] =	sst s1;
	(tag) =	ssettag s2;
	_ =	strace s9  }
0x27: {  	s1 =	sld [smem:$0x3FAF]  }
0x28: {  	s2 =	sld [smem:$0x3FB0]  }
0x29: {  	s4 =	sld [smem:$0x3FB2]  }
0x2a: {  	p0 =	seq.s32 s5, $0x0;
	s5 =	sld [smem:$0x3FB3]  }
0x2b: {  	s6 =	sld [smem:$0x3FB4]  }
0x2c: {  	s7 =	sld [smem:$0x3FB5]  }
0x2d: {  	s3 =	simm.s32 $0x108;
	s8 =	sld [smem:$0x3FB6]  }
0x2e: {  	s3 =	simm.s32 @!p0 $0x1082;
	s9 =	sld [smem:$0x3FB7]  }
0x2f: {  	lr =	sadd.s32 s0, s3;
	s0 =	sld [smem:$0x3FAE]  }
0x30: {  	s3 =	sld [smem:$0x3FB1]  }
0x31: {  	[smem:$0x3FBA] =	sst s10  }
0x32: {  	s10 =	sld [smem:$0x3FB8];
	_ =	sdelay $0x3  }
0x33: {  	p0 =	seq.s32 s10, $0x1;
	s10 =	sld [smem:$0x3FBA];
	_ =	sdelay $0x3  }
0x34: {  	[smem:$0x3FBA] =	sst s10  }
0x35: {  	s10 =	sld [smem:$0x3FB9];
	_ =	sdelay $0x3  }
0x36: {  	p1 =	seq.s32 s10, $0x1;
	s10 =	sld [smem:$0x3FBA];
	_ =	sdelay $0x3  }
0x37: {  	[smem:$0x3FBA] =	sst s10  }
0x38: {  	s10 =	sld [smem:$0x3FBB]  }
0x39: {  	_ = 	snop;
	(pc) =	sbr.ind lr, $3  }
0x3a: {  	_ = 	snop  }
0x3b: {  	_ = 	snop  }
0x3c: {  	p2 =	seq.s32 s10, $0x1;
	s10 =	sld [smem:$0x3FBA]  }
0x3d: {  	_ =	shalt  }
0x3e: {  	_ =	shalt  }
0x3f: {  	_ =	shalt  }
0x40: {  	_ =	shalt  }
0x41: {  	_ =	shalt  }
0x42: {  	_ =	shalt  }
0x43: {  	_ =	shalt  }
0x44: {  	_ =	shalt  }
0x45: {  	_ =	shalt  }
0x46: {  	_ =	shalt  }
0x47: {  	_ =	shalt  }
0x48: {  	_ =	shalt  }
0x49: {  	_ =	shalt  }
0x4a: {  	_ =	shalt  }
0x4b: {  	_ =	shalt  }
0x4c: {  	_ =	shalt  }
0x4d: {  	_ =	shalt  }
0x4e: {  	_ =	shalt  }
0x4f: {  	_ =	shalt  }
0x50: {  	_ =	shalt  }
0x51: {  	_ =	shalt  }
0x52: {  	_ =	shalt  }
0x53: {  	_ =	shalt  }
0x54: {  	_ =	shalt  }
0x55: {  	_ =	shalt  }
0x56: {  	_ =	shalt  }
0x57: {  	_ =	shalt  }
0x58: {  	_ =	shalt  }
0x59: {  	_ =	shalt  }
0x5a: {  	_ =	shalt  }
0x5b: {  	_ =	shalt  }
0x5c: {  	_ =	shalt  }
0x5d: {  	_ =	shalt  }
0x5e: {  	_ =	shalt  }
0x5f: {  	_ =	shalt  }
0x60: {  	_ =	shalt  }
0x61: {  	_ =	shalt  }
0x62: {  	_ =	shalt  }
0x63: {  	_ =	shalt  }
0x64: {  	_ =	shalt  }
0x65: {  	_ =	shalt  }
0x66: {  	_ =	shalt  }
0x67: {  	_ =	shalt  }
0x68: {  	_ =	shalt  }
0x69: {  	_ =	shalt  }
0x6a: {  	_ =	shalt  }
0x6b: {  	_ =	shalt  }
0x6c: {  	_ =	shalt  }
0x6d: {  	_ =	shalt  }
0x6e: {  	_ =	shalt  }
0x6f: {  	_ =	shalt  }
0x70: {  	_ =	shalt  }
0x71: {  	_ =	shalt  }
0x72: {  	_ =	shalt  }
0x73: {  	_ =	shalt  }
0x74: {  	_ =	shalt  }
0x75: {  	_ =	shalt  }
0x76: {  	_ =	shalt  }
0x77: {  	_ =	shalt  }
0x78: {  	_ =	shalt  }
0x79: {  	_ =	shalt  }
0x7a: {  	_ =	shalt  }
0x7b: {  	_ =	shalt  }
0x7c: {  	_ =	shalt  }
0x7d: {  	_ =	shalt  }
0x7e: {  	_ =	shalt  }
0x7f: {  	_ =	shalt  }
0x80: {  	_ =	shalt  }
0x81: {  	_ =	shalt  }
0x82: {  	_ =	shalt  }
0x83: {  	_ =	shalt  }
0x84: {  	_ =	shalt  }
0x85: {  	_ =	shalt  }
0x86: {  	_ =	shalt  }
0x87: {  	_ =	shalt  }
.Lfunc_end0:
.L_simem_size_0:
called_computation_lowered:
.L_overlay_start_0:
0x88: {  	s2 =	sld [smem:$0x3FD9]  }
0x89: {  	s3 =	sld [smem:$0x3FFE];
	_ =	sdelay $0x1  }
0x8a: {  	s1 =	srdreg.scid  }
0x8b: {  	s0 =	sand.u32 $0x1, s1  }
0x8c: {  	s17 =	sshll.u32 s0, $0xA;
	s2 =	sadd.s32 s3, s2  }
0x8d: {  	s2 =	sadd.s32 s2, s17  }
0x8e: {  	[smem:$0x3FC6] =	sst s2  }
0x8f: {  	_ = 	snop  }
0x90: {  	s2 =	sld [smem:$0x3FC8]  }
0x91: {  	s18 =	sld [smem:$0x3FD0];
	(tm) =	ssettm $0x1  }
0x92: {  	s4 =	sld [smem:$0x3FFB];
	_ =	sdelay $0x3  }
0x93: {  	_ =	strace s4  }
0x94: {  	s4 =	sld [smem:$0x3FFC];
	_ =	sdelay $0x3  }
0x95: {  	_ =	strace s4  }
0x96: {  	s4 =	sld [smem:$0x3FFD];
	_ =	sdelay $0x3  }
0x97: {  	_ =	strace s4  }
0x98: {  	_ =	strace $0x8FFFFFFF  }
0x99: {  	s19 =	sld [smem:$0x3FDB];
	_ =	sdelay $0x1  }
0x9a: {  	s5 =	simm.s32 $_scs_section_size  }
0x9b: {  	s6 =	simm.s32 $_size__tile_overlayer_lowered;
	s7 =	simm.s32 $_tile_overlayer_lowered  }
0x9c: {  	s22 =	simm.s32 $0x1BFF;
	s21 =	sshll.u32 s7, $0x1;
	s4 =	sadd.s32 s5, s19  }
0x9d: {  	s8 =	simm.s32 $0x0;
	s20 =	sshll.u32 s6, $0x1;
	s6 =	sadd.s32 s21, s4  }
0x9e: {  	[timem:s8], [sflag:s22] =	dma.local [hbm:s6], s20  }
0x9f: {  	_ =	swait.ge [sflag:s22], s20  }
0xa0: {  	s5 =	ssub.s32 $0x0, s20;
	[sflag:s22] =	ssyncset.done $0x0  }
0xa1: {  	[sflag:s22] =	ssyncadd.s32 s5;
	_ =	sdelay $0x1  }
0xa2: {  	s23 =	simm.s32 $0x1B8B  }
0xa3: {  	_ =	swait.ge [sflag:s23], $0x1  }
0xa4: {  	[sflag:s23] =	ssyncset.done $0x0  }
0xa5: {  	s25 =	simm.s32 $0x1B8E;
	s24 =	sld [smem:$0x3FFE];
	[sflag:s23] =	ssyncadd.s32 $0xFFFFFFFF  }
0xa6: {  	s26 =	simm.s32 $execute0_lowered;
	[smem:$0x3FD2] =	sst s25  }
0xa7: {  	s6 =	sshll.u32 s26, $0x1;
	_ =	strace $0x80000046;
	[dreg:$0x1] =	wrdreg $0xFFFFFFFF  }
0xa8: {  	s28 =	simm.s32 $_size_execute0_lowered;
	s4 =	sadd.s32 s4, s6;
	[dreg:$0x0] =	wrdreg $0x0  }
0xa9: {  	s6 =	sshll.u32 s28, $0x1;
	[dreg:$0x2] =	wrdreg s4  }
0xaa: {  	[dreg:$0x3] =	wrdreg s6  }
0xab: {  	[dreg:$0x4] =	wrdreg $0xC0  }
0xac: {  	_ =	task [dreg:s8], $0x5FFFF  }
0xad: {  	[dreg:$0x1] =	wrdreg $0xFFFFFFFF  }
0xae: {  	[dreg:$0x0] =	wrdreg $0x60  }
0xaf: {  	[dreg:$0x2] =	wrdreg s24  }
0xb0: {  	[dreg:$0x3] =	wrdreg s2  }
0xb1: {  	[dreg:$0x4] =	wrdreg s18  }
0xb2: {  	[dreg:$0x5] =	wrdreg $0x9  }
0xb3: {  	_ =	task.clear_ibuf [dreg:s8], $0x6FFFF;
	_ =	strace $0x90000046  }
0xb4: {  	s29 =	simm.s32 $0x9;
	_ =	strace $0x80000048  }
0xb5: {  	_ =	swait.ge [sflag:s29], $0x1  }
0xb6: {  	[sflag:s29] =	ssyncadd.s32 $0xFFFFFFFF  }
0xb7: {  	_ =	strace $0x90000048  }
0xb8: {  	_ =	sfence  }
0xb9: {  	s30 =	sld [smem:$0x0];
	_ =	sdelay $0x2  }
0xba: {  	s31 =	sshll.u32 s1, $0xD;
	s1 =	sshrl.u32 s1, $0x2  }
0xbb: {  	s3 =	sand.u32 $0x4000, s31;
	s1 =	sadd.s32 s1, s30  }
0xbc: {  	s0 =	sor.u32 s3, s0;
	s1 =	sshll.u32 s1, $0x11  }
0xbd: {  	s0 =	sor.u32 s1, s0  }
0xbe: {  	s0 =	sadd.s32 $0x8F2B, s0  }
0xbf: {  	[sflag:s0] =	ssyncadd.remote.s32 $0x1  }
0xc0: {  	_ =	sfence.sel $0xFFFF  }
0xc1: {  	[dreg:$0x0] =	wrdreg $0xFFFFFFFF;
	(pc) =	sbr.abs _section_cstart, $3  }
0xc2: {  	[dreg:$0x1] =	wrdreg $0xFFFFFFFF  }
0xc3: {  	_ =	task.clear_ibuf [dreg:s8], $0x2FFFF;
	_ =	strace $0x9FFFFFFF  }
0xc4: {  	(tm) =	ssettm $0x7FFFFFFF  }
0xc5: {  	_ =	shalt  }
tec
execute0_lowered:
.L_overlay_start_1:
0x0: {  	(tag) =	ssettag $0x1  }
0x1: {  	s0 =	rddreg [dreg:$0x0]  }
0x2: {  	s2 =	rddreg [dreg:$0x1];
	s1 =	srdreg.scid  }
0x3: {  	s7 =	stileid.u32;
	s5 =	rddreg [dreg:$0x2]  }
0x4: {  	s3 =	simm.s32 $0x0;
	s8 =	simm.s32 $0x80;
	s15 =	simm.s32 $0x9  }
0x5: {  	s16 =	simm.s32 $0xA;
	s17 =	simm.s32 $0xB;
	s18 =	simm.s32 $0xC  }
0x6: {  	s19 =	simm.s32 $0xD;
	s20 =	simm.s32 $0xE;
	s21 =	simm.s32 $0x8  }
0x7: {  	s22 =	simm.s32 $0x0;
	s1 =	sand.u32 $0x1, s1;
	s4 =	sshll.u32 s7, $0x1  }
0x8: {  	[smem:$0x7FF] =	sst s3;
	s7 =	smul.u32 $0x32000, s7;
	s4 =	sor.u32 s1, s4  }
0x9: {  	_ =	strace $0x80000047;
	s6 =	ssub.s32 $0x2, s1;
	s4 =	smul.u32 $0x380, s4  }
0xa: {  	s1 =	smul.u32 $0x19000, s1;
	s30 =	sshrl.u32 s6, $0x1;
	s31 =	sadd.s32 s7, s5  }
0xb: {  	s7 =	simm.s32 $0xF;
	s6 =	ssub.s32 s6, s30;
	s0 =	sadd.s32 s4, s0  }
0xc: {  	s5 =	smax.u32 s6, $0x1;
	s6 =	sadd.s32 s1, s31;
	s4 =	sadd.s32 $0x400, s0  }
.LBB2_1:
0xd: {  	[tilespmem:s3], [sflag:$0xF] =	stream.linear.gather [hbm4b:s4+s3], $0x1900, $0x38;
	[tilespmem:$0x1DC00] =	vst v63  }
0xe: {  	_ =	swait.ge [sflag:s7], $0x1900  }
0xf: {  	[sflag:s7] =	ssyncset.done $0x0  }
0x10: {  	s0 =	simm.s32 $0x1C00;
	s24 =	smul.u32 $0x25, s3;
	[sflag:s7] =	ssyncadd.s32 $0xFFFFE700  }
0x11: {  	[tilespmem:s0], [sflag:$0x1] =	stream.indirect.gather [hbm4b:s2+s8], $0x80, s3, s8, $0xb8;
	[tilespmem:$0x1DC00] =	vst v63  }
0x12: {  	s14 =	simm.s32 $0x5C00;
	s23 =	simm.s32 $0x100;
	s0 =	sshrl.u32 s24, $0x8  }
0x13: {  	[tilespmem:s14], [sflag:$0x2] =	stream.indirect.gather [hbm4b:s2+s8], $0x80, s8, s8, $0xb8;
	[tilespmem:$0x1DC00] =	vst v63  }
0x14: {  	s1 =	simm.s32 $0x9C00;
	s25 =	simm.s32 $0x180;
	s26 =	ssub.s32 $0x0, s0  }
0x15: {  	[tilespmem:s1], [sflag:$0x3] =	stream.indirect.gather [hbm4b:s2+s8], $0x80, s23, s8, $0xb8;
	[tilespmem:$0x1DC00] =	vst v63  }
0x16: {  	p0 =	por $0x0, $0x0;
	s23 =	simm.s32 $0x4;
	s1 =	sand.u32 $0xFE, s26  }
0x17: {  	s9 =	simm.s32 $0xDC00;
	s23 =	smul.u32 @!p0 $0x25, s23;
	s1 =	sshrl.u32 s1, $0x1  }
0x18: {  	[tilespmem:s9], [sflag:$0x4] =	stream.indirect.gather [hbm4b:s2+s8], $0x80, s25, s8, $0xb8;
	[tilespmem:$0x1DC00] =	vst v63  }
0x19: {  	s0 =	sadd.s32 s0, s1  }
0x1a: {  	s1 =	sshrl.u32 @!p0 s23, $0x8;
	s0 =	sand.u32 $0xFC, s0  }
0x1b: {  	s23 =	ssub.s32 @!p0 $0x4, s1;
	s0 =	sshrl.u32 s0, $0x2  }
0x1c: {  	s23 =	sand.u32 @!p0 $0xFE, s23;
	s0 =	smul.u32 $0x7, s0  }
0x1d: {  	s29 =	simm.s32 $0x2;
	s23 =	sshrl.u32 @!p0 s23, $0x1  }
0x1e: {  	p1 =	por @!p0 $0x1, $0x1;
	s1 =	sadd.s32 @!p0 s1, s23;
	s0 =	ssub.s32 $0x0, s0  }
0x1f: {  	p1 =	por p1, p0;
	s1 =	sand.u32 @!p0 $0xFC, s1;
	s0 =	sand.u32 $0xFF, s0  }
0x20: {  	s25 =	simm.s32 $0x1;
	s1 =	sshrl.u32 @!p0 s1, $0x2;
	s24 =	sadd.s32 $0x1, s0  }
0x21: {  	s23 =	simm.s32 $0x200;
	s1 =	smul.u32 @!p0 $0x7, s1;
	_ =	swait.ge [sflag:s24], $0x4000  }
0x22: {  	s26 =	sshll.u32 s0, $0xE;
	s0 =	sor.u32 $0x8, s0;
	[sflag:s24] =	ssyncset.done $0x0  }
0x23: {  	s26 =	sor.u32 $0x1C00, s26;
	s1 =	ssub.s32 @!p0 $0x4, s1;
	[sflag:s24] =	ssyncadd.s32 $0xFFFFC000  }
0x24: {  	[hbm4b:s6+s3] =	stream.linear.scatter [tilespmem:s26], [sflag:s0], $0x4000, $0x38;
	[tilespmem:$0x1DC00] =	vst v63  }
0x25: {  	s24 =	sadd.s32 $0x800, s6;
	s30 =	sand.u32 @!p0 $0xFF, s1;
	s0 =	smul.u32 $0x25, s25  }
0x26: {  	s26 =	simm.s32 $0x200;
	s31 =	sshll.u32 @!p0 s30, $0xE;
	s28 =	sadd.s32 @!p1 $0x8, s30  }
.LBB2_2:
0x27: {  	s0 =	sshrl.u32 s0, $0x8;
	s23 =	sadd.s32 $0x80, s23;
	s9 =	smov.u32 s29  }
0x28: {  	s29 =	sadd.s32 $0x1, s29;
	s1 =	smov.u32 s24;
	p4 =	por p0, p0  }
0x29: {  	s11 =	sadd.s32 $0x4, s25;
	p0 =	sgt.u32 s25, $0x2D;
	s10 =	ssub.s32 s25, s0  }
0x2a: {  	s12 =	smul.u32 @!p0 $0x25, s11;
	p3 =	slt.u32 @!p0 s25, $0x3;
	s10 =	sand.u32 $0xFE, s10  }
0x2b: {  	p2 =	sne.s32 s29, $0x32;
	s10 =	sshrl.u32 s10, $0x1  }
0x2c: {  	s0 =	sadd.s32 s0, s10;
	s10 =	sshrl.u32 @!p0 s12, $0x8  }
0x2d: {  	s0 =	sand.u32 $0xFC, s0;
	s12 =	ssub.s32 @!p0 s11, s10  }
0x2e: {  	s13 =	simm.s32 @!p4 $0x80;
	s0 =	sshrl.u32 s0, $0x2;
	s12 =	sand.u32 @!p0 $0xFE, s12  }
0x2f: {  	s30 =	sadd.s32 @!p4 $0x1, s30;
	s0 =	smul.u32 $0x7, s0;
	s12 =	sshrl.u32 @!p0 s12, $0x1  }
0x30: {  	s10 =	sadd.s32 @!p0 s10, s12;
	_ =	swait.ge @!p1 [sflag:s28], $0x4000;
	s12 =	sor.u32 @!p4 $0x1C00, s31  }
0x31: {  	s0 =	ssub.s32 s25, s0;
	s10 =	sand.u32 @!p0 $0xFC, s10;
	[sflag:s28] =	ssyncset.done @!p1 $0x0  }
0x32: {  	s0 =	sand.u32 $0xFF, s0;
	s10 =	sshrl.u32 @!p0 s10, $0x2;
	[sflag:s28] =	ssyncadd.s32 @!p1 $0xFFFFC000  }
0x33: {  	s14 =	sadd.s32 $0x1, s0;
	s25 =	sshll.u32 s0, $0xE;
	s10 =	smul.u32 @!p0 $0x7, s10  }
0x34: {  	[tilespmem:s12], [sflag:s30] =	stream.indirect.gather @!p4 [hbm4b:s2+s13], $0x80, s26, s13, $0xb8;
	[tilespmem:$0x1DC00] =	vst v63  }
0x35: {  	s12 =	sor.u32 $0x1C00, s25;
	s25 =	smov.u32 s9;
	s10 =	ssub.s32 @!p0 s11, s10  }
.Ltmp0:
0x36: {  	s9 =	sor.u32 $0x8, s0;
	s30 =	sand.u32 @!p0 $0xFF, s10;
	(pc) =	sbr.rel @p2 .LBB2_2-.Ltmp0, $4  }
0x37: {  	p1 =	por p3, p0;
	_ =	swait.ge [sflag:s14], $0x4000;
	s31 =	sshll.u32 @!p0 s30, $0xE  }
0x38: {  	s26 =	smov.u32 s23;
	s28 =	sadd.s32 @!p1 $0x8, s30;
	[sflag:s14] =	ssyncset.done $0x0  }
0x39: {  	s24 =	sadd.s32 $0x800, s24;
	s0 =	smul.u32 $0x25, s25;
	[sflag:s14] =	ssyncadd.s32 $0xFFFFC000  }
0x3a: {  	[hbm4b:s1+s3] =	stream.linear.scatter [tilespmem:s12], [sflag:s9], $0x4000, $0x38;
	[tilespmem:$0x1DC00] =	vst v63  }
0x3b: {  	s0 =	sshrl.u32 s0, $0x8  }
0x3c: {  	s9 =	sadd.s32 $0x4, s25;
	p2 =	sgt.u32 s25, $0x2D;
	s1 =	ssub.s32 s25, s0  }
0x3d: {  	s10 =	smul.u32 @!p2 $0x25, s9;
	s1 =	sand.u32 $0xFE, s1  }
0x3e: {  	s1 =	sshrl.u32 s1, $0x1  }
0x3f: {  	s0 =	sadd.s32 s0, s1;
	s1 =	sshrl.u32 @!p2 s10, $0x8  }
0x40: {  	p3 =	por p0, p0;
	_ =	swait.ge @!p1 [sflag:s28], $0x4000;
	s10 =	ssub.s32 @!p2 s9, s1  }
0x41: {  	s11 =	simm.s32 @!p3 $0x80;
	s12 =	sadd.s32 @!p3 $0x1, s30;
	s10 =	sand.u32 @!p2 $0xFE, s10  }
0x42: {  	[sflag:s28] =	ssyncset.done @!p1 $0x0;
	s0 =	sand.u32 $0xFC, s0;
	s10 =	sshrl.u32 @!p2 s10, $0x1  }
0x43: {  	[sflag:s28] =	ssyncadd.s32 @!p1 $0xFFFFC000;
	s0 =	sshrl.u32 s0, $0x2;
	s1 =	sadd.s32 @!p2 s1, s10  }
0x44: {  	s0 =	smul.u32 $0x7, s0;
	s10 =	sor.u32 @!p3 $0x1C00, s31;
	s1 =	sand.u32 @!p2 $0xFC, s1  }
0x45: {  	[tilespmem:s10], [sflag:s12] =	stream.indirect.gather @!p3 [hbm4b:s2+s11], $0x80, s26, s11, $0xb8;
	[tilespmem:$0x1DC00] =	vst v63  }
0x46: {  	s0 =	ssub.s32 s25, s0;
	s1 =	sshrl.u32 @!p2 s1, $0x2  }
0x47: {  	p0 =	slt.u32 @!p2 s25, $0x3;
	s0 =	sand.u32 $0xFF, s0;
	s1 =	smul.u32 @!p2 $0x7, s1  }
0x48: {  	p0 =	por p0, p2;
	p1 =	por p2, p2;
	s13 =	sadd.s32 $0x1, s0  }
0x49: {  	s14 =	sshll.u32 s0, $0xE;
	_ =	swait.ge [sflag:s13], $0x4000;
	s1 =	ssub.s32 @!p2 s9, s1  }
0x4a: {  	s0 =	sor.u32 $0x8, s0;
	[sflag:s13] =	ssyncset.done $0x0;
	s1 =	sand.u32 @!p2 $0xFF, s1  }
0x4b: {  	s31 =	sor.u32 $0x1C00, s14;
	[sflag:s13] =	ssyncadd.s32 $0xFFFFC000;
	s9 =	sadd.s32 @!p0 $0x8, s1  }
0x4c: {  	[hbm4b:s24+s3] =	stream.linear.scatter [tilespmem:s31], [sflag:s0], $0x4000, $0x38;
	[tilespmem:$0x1DC00] =	vst v63  }
0x4d: {  	s11 =	simm.s32 @!p1 $0x80;
	_ =	swait.ge @!p0 [sflag:s9], $0x4000  }
0x4e: {  	s0 =	sadd.s32 $0x80, s23;
	s10 =	sshll.u32 @!p2 s1, $0xE;
	[sflag:s9] =	ssyncset.done @!p0 $0x0  }
0x4f: {  	s1 =	sadd.s32 @!p1 $0x1, s1;
	s10 =	sor.u32 @!p1 $0x1C00, s10;
	[sflag:s9] =	ssyncadd.s32 @!p0 $0xFFFFC000  }
0x50: {  	[tilespmem:s10], [sflag:s1] =	stream.indirect.gather @!p1 [hbm4b:s2+s11], $0x80, s0, s11, $0xb8;
	[tilespmem:$0x1DC00] =	vst v63  }
0x51: {  	_ =	swait.ge [sflag:s15], $0x4000  }
0x52: {  	[sflag:s15] =	ssyncset.done $0x0  }
0x53: {  	[sflag:s15] =	ssyncadd.s32 $0xFFFFC000  }
0x54: {  	_ =	swait.ge [sflag:s16], $0x4000  }
0x55: {  	[sflag:s16] =	ssyncset.done $0x0  }
0x56: {  	[sflag:s16] =	ssyncadd.s32 $0xFFFFC000  }
0x57: {  	_ =	swait.ge [sflag:s17], $0x4000  }
0x58: {  	[sflag:s17] =	ssyncset.done $0x0  }
0x59: {  	[sflag:s17] =	ssyncadd.s32 $0xFFFFC000  }
0x5a: {  	_ =	swait.ge [sflag:s18], $0x4000  }
0x5b: {  	[sflag:s18] =	ssyncset.done $0x0  }
0x5c: {  	[sflag:s18] =	ssyncadd.s32 $0xFFFFC000  }
0x5d: {  	_ =	swait.ge [sflag:s19], $0x4000  }
0x5e: {  	[sflag:s19] =	ssyncset.done $0x0  }
0x5f: {  	s22 =	sadd.s32 $0x1, s22;
	[sflag:s19] =	ssyncadd.s32 $0xFFFFC000  }
0x60: {  	p0 =	sne.s32 s22, s5;
	_ =	swait.ge [sflag:s20], $0x4000  }
.Ltmp1:
0x61: {  	[sflag:s20] =	ssyncset.done $0x0;
	(pc) =	sbr.rel @p0 .LBB2_1-.Ltmp1, $4  }
0x62: {  	[sflag:s20] =	ssyncadd.s32 $0xFFFFC000  }
0x63: {  	_ =	swait.ge [sflag:s21], $0x4000  }
0x64: {  	[sflag:s21] =	ssyncset.done $0x0  }
0x65: {  	[sflag:s21] =	ssyncadd.s32 $0xFFFFC000  }
0x66: {  	_ =	sfence.sel $0x180000  }
0x67: {  	[bflag:$0x0] =	sbarrier.arrive $0xFFFF  }
0x68: {  	_ =	strace $0x90000047  }
0x69: {  	s0 =	stileid.u32;
	[bflag:$0x2] =	sbarrier.arrive $0xFFFF  }
0x6a: {  	p0 =	sne.s32 s0, $0x0;
	s0 =	rddreg [dreg:$0x3]  }
0x6b: {  	s0 =	sadd.s32 @!p0 $0x100000, s0  }
0x6c: {  	[sflag:s0] =	ssyncadd.tile.s32 @!p0 $0x1;
	_ =	shalt  }
.Lfunc_end2:
_tile_overlayer_lowered:
.L_overlay_start_2:
0x6d: {  	(tag) =	ssettag $0x2  }
0x6e: {  	s0 =	rddreg [dreg:$0x0];
	s2 =	stileid.u32  }
0x6f: {  	s1 =	rddreg [dreg:$0x1];
	p0 =	sne.s32 s2, $0x0  }
0x70: {  	s3 =	rddreg [dreg:$0x2];
	[bflag:$0x3] =	sbarrier.arrive $0xFFFF;
	s2 =	simm.s32 @!p0 $0x1C0F  }
0x71: {  	[timem:s3], [sflag:s2] =	dma.local @!p0 [hbm:s0], s1  }
0x72: {  	s0 =	simm.s32 @!p0 $0xF  }
0x73: {  	_ =	swait.ge @!p0 [sflag:s0], s1  }
0x74: {  	s1 =	ssub.s32 @!p0 $0x0, s1;
	[sflag:s0] =	ssyncset.done @!p0 $0x0  }
0x75: {  	[sflag:s0] =	ssyncadd.s32 @!p0 s1  }
0x76: {  	[bflag:$0x3] =	sbarrier.arrive $0xFFFF  }
0x77: {  	_ =	shalt  }

</sc_bundles>
